<compile_context>
chip_gen: v7x
topology: tpu7x:2x2x1
jax: 0.10.2.dev20260603
libtpu: 0.0.44.dev20260713+nightly
codegen_flags: <defaults>
</compile_context>

<pallas_src>
import math

import jax
import jax.numpy as jnp
from jax import lax
from jax.experimental import pallas as pl
from jax.experimental.pallas import tpu as pltpu, tpu_sc as plsc

B, T = 4, 8192
D_MODEL = 1024
D_HALF = 512
POS_SIZE = 128
PITCH_START = 128
PITCH_SIZE = 32

NUM_CORES = 2
NUM_SUBCORES = 16
NUM_TILES = NUM_CORES * NUM_SUBCORES
BT = B * T
TOK_PER_TILE = BT // NUM_TILES
CHUNKS_PER_ROW = T // TOK_PER_TILE
VECS_PER_TILE = TOK_PER_TILE // 16

ZERO_L = POS_SIZE * 2
ZERO_R = PITCH_SIZE

BLK = 512
NBLK = BT // BLK

_GATHER_DNUMS = lax.GatherDimensionNumbers(
    offset_dims=(), collapsed_slice_dims=(0,), start_index_map=(0,))


def _take(v, idx):
    return lax.gather(v, idx[:, None], _GATHER_DNUMS, slice_sizes=(1,),
                      mode=lax.GatherScatterMode.PROMISE_IN_BOUNDS)


def _sc_body(ids_hbm, pk_hbm, ids_v, pk_v):
    cid = lax.axis_index("c")
    sid = lax.axis_index("s")
    wid = sid * NUM_CORES + cid
    row = wid // CHUNKS_PER_ROW
    chunk = wid % CHUNKS_PER_ROW

    pltpu.sync_copy(ids_hbm.at[pl.ds(row * T, T)], ids_v)

    iota16 = lax.iota(jnp.int32, 16)
    lane15 = jnp.full((16,), 15, jnp.int32)

    def lane_cummax(v):
        for d in (1, 2, 4, 8):
            v = jnp.maximum(v, _take(v, jnp.maximum(iota16 - d, 0)))
        return v

    def pre_body(i, m):
        ids16 = ids_v[pl.ds(i * 16, 16)]
        t16 = i * 16 + iota16
        enc = jnp.where(ids16 < POS_SIZE, (t16 << 7) | ids16, -1)
        return jnp.maximum(m, enc)

    pre = lax.fori_loop(0, chunk * VECS_PER_TILE, pre_body,
                        jnp.full((16,), -1, jnp.int32))
    carry0 = _take(lane_cummax(pre), lane15)

    base = chunk * TOK_PER_TILE

    def scan_body(j, carry):
        off = base + j * 16
        ids16 = ids_v[pl.ds(off, 16)]
        t16 = off + iota16
        pos = ids16 < POS_SIZE
        pitch = jnp.logical_and(ids16 >= PITCH_START,
                                ids16 < PITCH_START + PITCH_SIZE)
        enc = jnp.where(pos, (t16 << 7) | ids16, -1)
        cm = jnp.maximum(lane_cummax(enc), carry)
        ff = jnp.maximum(cm, 0) & (POS_SIZE - 1)
        li = jnp.where(pos, ids16,
                       jnp.where(pitch, ff + POS_SIZE, ZERO_L))
        ri = jnp.where(pitch, ids16 - PITCH_START, ZERO_R)
        pk_v[pl.ds(j * 16, 16)] = li | (ri << 9)
        return _take(cm, lane15)

    lax.fori_loop(0, VECS_PER_TILE, scan_body, carry0)
    pltpu.sync_copy(pk_v, pk_hbm.at[pl.ds(wid * TOK_PER_TILE,
                                          TOK_PER_TILE)])


_sc_idx = pl.kernel(
    _sc_body,
    out_type=jax.ShapeDtypeStruct((BT,), jnp.int32),
    mesh=plsc.VectorSubcoreMesh(core_axis_name="c", subcore_axis_name="s"),
    scratch_types=[
        pltpu.VMEM((T,), jnp.int32),
        pltpu.VMEM((TOK_PER_TILE,), jnp.int32),
    ],
)

_SQRT2 = float(math.sqrt(2.0))
_DN = (((0,), (0,)), ((), ()))


def _tc_body(pk_ref, tpbh_ref, tpih_ref, o_ref):
    p = pk_ref[0]
    l = p & 0x1FF
    r = p >> 9
    ohl = (lax.broadcasted_iota(jnp.int32, (2 * POS_SIZE, BLK), 0)
           == l).astype(jnp.bfloat16)
    ohr = (lax.broadcasted_iota(jnp.int32, (PITCH_SIZE, BLK), 0)
           == r).astype(jnp.bfloat16)
    left = lax.dot_general(ohl, tpbh_ref[...], _DN,
                           preferred_element_type=jnp.float32)
    right = lax.dot_general(ohr, tpih_ref[...], _DN,
                            preferred_element_type=jnp.float32)
    o_ref[:, :D_HALF] = left
    o_ref[:, D_HALF:] = right


_tc_gather = pl.pallas_call(
    _tc_body,
    grid=(NBLK,),
    in_specs=[
        pl.BlockSpec((1, 1, BLK), lambda i: (i, 0, 0)),
        pl.BlockSpec((2 * POS_SIZE, D_HALF), lambda i: (0, 0)),
        pl.BlockSpec((PITCH_SIZE, D_HALF), lambda i: (0, 0)),
    ],
    out_specs=pl.BlockSpec((BLK, D_MODEL), lambda i: (i, 0)),
    out_shape=jax.ShapeDtypeStruct((BT, D_MODEL), jnp.float32),
)


@jax.jit
def kernel(token_ids, table_pos, table_pitch):
    tpb = jnp.concatenate([table_pos * jnp.float32(_SQRT2), table_pos],
                          axis=0).astype(jnp.bfloat16)
    tpi = table_pitch.astype(jnp.bfloat16)
    pk = _sc_idx(token_ids.reshape(BT))
    out = _tc_gather(pk.reshape(NBLK, 1, BLK), tpb, tpi)
    return out.reshape(B, T, D_MODEL)

# --- scband reference (transcript-rebuilt; emitter-appended) ---
"""Pipeline reference for scband-remipos-pitch-sinusoidal-pe-3994319585442 (READ-ONLY COPY).

The authoritative reference and input builder live on the scoring server;
editing this copy changes nothing except your own understanding.
"""

import math
import jax, jax.numpy as jnp
import numpy as np

D_MODEL = 1024
POS_START = 0
POS_SIZE = 128
PITCH_START = 128
PITCH_SIZE = 32
BASE = 10000.0
D_POS = D_MODEL // 2
D_PITCH = D_MODEL - D_POS
B, T = 4, 8192


def _sincos_table(max_len, d):
    div_term = np.exp(np.arange(0, d, 2, dtype=np.float32) * (-math.log(BASE) / d))
    pos = np.arange(max_len, dtype=np.float32)[:, None]
    angle = pos * div_term[None, :]
    table = np.stack((np.sin(angle), np.cos(angle)), axis=-1).reshape(max_len, d)
    return jnp.asarray(table, dtype=jnp.float32)


def setup_inputs(seed: int = 0) -> dict:
    key = jax.random.key(seed)
    token_ids = jax.random.randint(key, (B, T), 0, 512, dtype=jnp.int32)
    return {
        'token_ids': token_ids,
        'table_pos': _sincos_table(POS_SIZE, D_POS),
        'table_pitch': _sincos_table(PITCH_SIZE, D_PITCH),
    }


def _forward_fill(values, mask):
    # LOCF forward fill: gather the value at the most recent True position.
    Tlen = values.shape[1]
    t = jnp.broadcast_to(jnp.arange(Tlen, dtype=jnp.int32)[None, :], values.shape)
    set_idx = jnp.where(mask, t, -1)
    last_idx = jnp.maximum(jax.lax.cummax(set_idx, axis=1), 0)
    updates = jnp.where(mask, values, 0)
    return jnp.take_along_axis(updates, last_idx, axis=1)


def reference(token_ids, table_pos, table_pitch):
    ids = token_ids
    pos_tok = (ids >= POS_START) & (ids < POS_START + POS_SIZE)
    pitch_tok = (ids >= PITCH_START) & (ids < PITCH_START + PITCH_SIZE)
    # bar_id is None -> bar_tok all False; note_mask defaults to pitch_tok
    pos_update_val = jnp.where(pos_tok, ids - POS_START, 0)
    pos_idx = _forward_fill(pos_update_val, pos_tok)
    # carry_pitch=False branch
    pitch_idx = jnp.where(pitch_tok, ids - PITCH_START, 0)
    # embedding lookups (SparseCore gathers)
    pe_pos = jnp.take(table_pos, pos_idx, axis=0)
    pe_pitch = jnp.take(table_pitch, pitch_idx, axis=0)
    pos_gate = (pos_tok | pitch_tok).astype(jnp.float32)[..., None]
    pitch_gate = pitch_tok.astype(jnp.float32)[..., None]
    pe_pos = pe_pos * pos_gate
    pe_pitch = pe_pitch * pitch_gate
    pe = jnp.concatenate((pe_pos, pe_pitch), axis=-1)
    # normalize=True
    active_dims = pos_gate[..., 0] * float(D_POS) + pitch_gate[..., 0] * float(D_PITCH)
    scale = jax.lax.rsqrt(jnp.maximum(active_dims, 1.0) / float(D_MODEL))
    pe = pe * scale[..., None]
    return pe

if __name__ == "__main__":
    import jax
    _d = setup_inputs()
    print(jax.jit(kernel)(*tuple(_d.values())))

</pallas_src>

<mosaic_0001>
#map = affine_map<(d0, d1) -> (0)>
module attributes {stable_mosaic.version = 14 : i64} {
  func.func @_sc_body(%arg0: i32, %arg1: i32, %arg2: memref<32768xi32, #tpu.memory_space<hbm>>, %arg3: memref<32768xi32, #tpu.memory_space<hbm>>, %arg4: memref<8192xi32, #tpu.memory_space<vmem>>, %arg5: memref<1024xi32, #tpu.memory_space<vmem>>) attributes {dimension_semantics = [#tpu.dimension_semantics<core_parallel>, #tpu.dimension_semantics<subcore_parallel>], iteration_bounds = array<i64: 2, 16>, scalar_prefetch = 0 : i64, scratch_operands = 2 : i64, tpu.core_type = #tpu.core_type<sc_vector_subcore>, window_params = [{transform_indices = #map}, {transform_indices = #map}]} {
    %mul3A = arith.constant 2 : i32
    %mul3A_0 = arith.muli %arg1, %mul3A : i32
    %add3A = arith.addi %mul3A_0, %arg0 : i32
    %jit3A = arith.constant 8 : i32
    %div3A = arith.divsi %add3A, %jit3A : i32
    %sign3A = arith.constant 0 : i32
    %sign3A_1 = arith.cmpi sgt, %add3A, %sign3A : i32
    %sign3A_2 = arith.extui %sign3A_1 : i1 to i32
    %sign3A_3 = arith.constant 0 : i32
    %sign3A_4 = arith.cmpi slt, %add3A, %sign3A_3 : i32
    %sign3A_5 = arith.extui %sign3A_4 : i1 to i32
    %sign3A_6 = arith.subi %sign3A_2, %sign3A_5 : i32
    %sign3A_7 = arith.constant 0 : i32
    %sign3A_8 = arith.cmpi sgt, %jit3A, %sign3A_7 : i32
    %sign3A_9 = arith.extui %sign3A_8 : i1 to i32
    %sign3A_10 = arith.constant 0 : i32
    %sign3A_11 = arith.cmpi slt, %jit3A, %sign3A_10 : i32
    %sign3A_12 = arith.extui %sign3A_11 : i1 to i32
    %sign3A_13 = arith.subi %sign3A_9, %sign3A_12 : i32
    %ne3A = arith.cmpi ne, %sign3A_6, %sign3A_13 : i32
    %rem3A = arith.remsi %add3A, %jit3A : i32
    %ne3A_14 = arith.constant 0 : i32
    %ne3A_15 = arith.cmpi ne, %rem3A, %ne3A_14 : i32
    %and3A = arith.andi %ne3A, %ne3A_15 : i1
    %sub3A = arith.constant 1 : i32
    %sub3A_16 = arith.subi %div3A, %sub3A : i32
    %select_n3A = arith.select %and3A, %sub3A_16, %div3A : i32
    %jit3A_17 = arith.constant 8 : i32
    %eq3A = arith.constant 0 : i32
    %eq3A_18 = arith.cmpi eq, %jit3A_17, %eq3A : i32
    %jit3A_19 = arith.constant 1 : i32
    %select_n3A_20 = arith.select %eq3A_18, %jit3A_19, %jit3A_17 : i32
    %rem3A_21 = arith.remsi %add3A, %select_n3A_20 : i32
    %ne3A_22 = arith.constant 0 : i32
    %ne3A_23 = arith.cmpi ne, %rem3A_21, %ne3A_22 : i32
    %lt3A = arith.constant 0 : i32
    %lt3A_24 = arith.cmpi slt, %rem3A_21, %lt3A : i32
    %lt3A_25 = arith.constant 0 : i32
    %lt3A_26 = arith.cmpi slt, %select_n3A_20, %lt3A_25 : i32
    %ne3A_27 = arith.xori %lt3A_24, %lt3A_26 : i1
    %and3A_28 = arith.andi %ne3A_27, %ne3A_23 : i1
    %add3A_29 = arith.addi %rem3A_21, %select_n3A_20 : i32
    %select_n3A_30 = arith.select %and3A_28, %add3A_29, %rem3A_21 : i32
    %mul3A_31 = arith.constant 8192 : i32
    %mul3A_32 = arith.muli %select_n3A, %mul3A_31 : i32
    "tpu.region"() ({
      %run_scoped3A = tpu.sem_alloc : memref<!tpu.dma_semaphore, #tpu.memory_space<semaphore_mem>>
      %dma_start3A = tpu.memref_slice %arg2[%mul3A_32] : memref<32768xi32, #tpu.memory_space<hbm>> -> memref<8192xi32, #tpu.memory_space<hbm>>
      %dma_start3A_98 = tpu.memref_slice %arg2[%mul3A_32] : memref<32768xi32, #tpu.memory_space<hbm>> -> memref<8192xi32, #tpu.memory_space<hbm>>
      tpu.enqueue_dma source(%dma_start3A_98 : memref<8192xi32, #tpu.memory_space<hbm>>) target(%arg4 : memref<8192xi32, #tpu.memory_space<vmem>>) target_semaphore(%run_scoped3A : memref<!tpu.dma_semaphore, #tpu.memory_space<semaphore_mem>>)
      %dma_wait3A = tpu.memref_slice %arg2[%mul3A_32] : memref<32768xi32, #tpu.memory_space<hbm>> -> memref<8192xi32, #tpu.memory_space<hbm>>
      %dma_wait3A_99 = tpu.memref_slice %arg2[%mul3A_32] : memref<32768xi32, #tpu.memory_space<hbm>> -> memref<8192xi32, #tpu.memory_space<hbm>>
      tpu.wait_dma2 semaphore(%run_scoped3A : memref<!tpu.dma_semaphore, #tpu.memory_space<semaphore_mem>>) src(%dma_wait3A_99 : memref<8192xi32, #tpu.memory_space<hbm>>) dst(%arg4 : memref<8192xi32, #tpu.memory_space<vmem>>)
      tpu.yield
    }) : () -> ()
    %iota3A = tpu.iota {dimensions = array<i32: 0>} : vector<16xi32>
    %broadcast_in_dim3A = arith.constant 15 : i32
    %broadcast_in_dim3A_33 = vector.broadcast %broadcast_in_dim3A : i32 to vector<16xi32>
    %mul3A_34 = arith.constant 64 : i32
    %mul3A_35 = arith.muli %select_n3A_30, %mul3A_34 : i32
    %broadcast_in_dim3A_36 = arith.constant -1 : i32
    %broadcast_in_dim3A_37 = vector.broadcast %broadcast_in_dim3A_36 : i32 to vector<16xi32>
    %while3A = arith.constant 0 : i32
    %while3A_38 = arith.subi %mul3A_35, %while3A : i32
    %while3A_39 = arith.addi %while3A, %while3A_38 : i32
    %while3A_40 = arith.constant 1 : i32
    %while3A_41 = arith.divsi %while3A_38, %while3A_40 : i32
    %while3A_42 = arith.muli %while3A_41, %while3A_40 : i32
    %while3A_43 = arith.addi %while3A, %while3A_42 : i32
    %while3A_44 = arith.constant 1 : i32
    %while3A_45 = scf.for %while3A_98 = %while3A to %while3A_43 step %while3A_44 iter_args(%while3A_99 = %broadcast_in_dim3A_37) -> (vector<16xi32>)  : i32 {
      %mul3A_100 = arith.constant 16 : i32
      %mul3A_101 = arith.muli %while3A_98, %mul3A_100 : i32
      %get3A = arith.index_cast %mul3A_101 : i32 to index
      %get3A_102 = tpu.vector_load %arg4[%get3A] {strides = array<i32>} : memref<8192xi32, #tpu.memory_space<vmem>>, vector<16xi32>,
      %get3A_103 = vector.shape_cast %get3A_102 : vector<16xi32> to vector<16xi32>
      %mul3A_104 = arith.constant 16 : i32
      %mul3A_105 = arith.muli %while3A_98, %mul3A_104 : i32
      %add3A_106 = vector.broadcast %mul3A_105 : i32 to vector<16xi32>
      %add3A_107 = arith.addi %add3A_106, %iota3A : vector<16xi32>
      %lt3A_108 = arith.constant 128 : i32
      %lt3A_109 = vector.broadcast %lt3A_108 : i32 to vector<16xi32>
      %lt3A_110 = arith.cmpi slt, %get3A_103, %lt3A_109 : vector<16xi32>
      %shift_left3A = arith.constant 7 : i32
      %shift_left3A_111 = vector.broadcast %shift_left3A : i32 to vector<16xi32>
      %shift_left3A_112 = arith.shli %add3A_107, %shift_left3A_111 : vector<16xi32>
      %or3A = arith.ori %shift_left3A_112, %get3A_103 : vector<16xi32>
      %jit3A_113 = arith.constant -1 : i32
      %broadcast_in_dim3A_114 = vector.broadcast %jit3A_113 : i32 to vector<16xi32>
      %select_n3A_115 = arith.select %lt3A_110, %or3A, %broadcast_in_dim3A_114 : vector<16xi1>, vector<16xi32>
      %max3A_116 = arith.maxsi %while3A_99, %select_n3A_115 : vector<16xi32>
      scf.yield %max3A_116 : vector<16xi32>
    }
    %while3A_46 = arith.constant 1 : i32
    %while3A_47 = scf.for %while3A_98 = %while3A_43 to %while3A_39 step %while3A_46 iter_args(%while3A_99 = %while3A_45) -> (vector<16xi32>)  : i32 {
      %mul3A_100 = arith.constant 16 : i32
      %mul3A_101 = arith.muli %while3A_98, %mul3A_100 : i32
      %get3A = arith.index_cast %mul3A_101 : i32 to index
      %get3A_102 = tpu.vector_load %arg4[%get3A] {strides = array<i32>} : memref<8192xi32, #tpu.memory_space<vmem>>, vector<16xi32>,
      %get3A_103 = vector.shape_cast %get3A_102 : vector<16xi32> to vector<16xi32>
      %mul3A_104 = arith.constant 16 : i32
      %mul3A_105 = arith.muli %while3A_98, %mul3A_104 : i32
      %add3A_106 = vector.broadcast %mul3A_105 : i32 to vector<16xi32>
      %add3A_107 = arith.addi %add3A_106, %iota3A : vector<16xi32>
      %lt3A_108 = arith.constant 128 : i32
      %lt3A_109 = vector.broadcast %lt3A_108 : i32 to vector<16xi32>
      %lt3A_110 = arith.cmpi slt, %get3A_103, %lt3A_109 : vector<16xi32>
      %shift_left3A = arith.constant 7 : i32
      %shift_left3A_111 = vector.broadcast %shift_left3A : i32 to vector<16xi32>
      %shift_left3A_112 = arith.shli %add3A_107, %shift_left3A_111 : vector<16xi32>
      %or3A = arith.ori %shift_left3A_112, %get3A_103 : vector<16xi32>
      %jit3A_113 = arith.constant -1 : i32
      %broadcast_in_dim3A_114 = vector.broadcast %jit3A_113 : i32 to vector<16xi32>
      %select_n3A_115 = arith.select %lt3A_110, %or3A, %broadcast_in_dim3A_114 : vector<16xi1>, vector<16xi32>
      %max3A_116 = arith.maxsi %while3A_99, %select_n3A_115 : vector<16xi32>
      scf.yield %max3A_116 : vector<16xi32>
    }
    %sub3A_48 = arith.constant 1 : i32
    %sub3A_49 = vector.broadcast %sub3A_48 : i32 to vector<16xi32>
    %sub3A_50 = arith.subi %iota3A, %sub3A_49 : vector<16xi32>
    %max3A = arith.constant 0 : i32
    %max3A_51 = vector.broadcast %max3A : i32 to vector<16xi32>
    %max3A_52 = arith.maxsi %sub3A_50, %max3A_51 : vector<16xi32>
    %broadcast_in_dim3A_53 = vector.shape_cast %max3A_52 : vector<16xi32> to vector<16x1xi32>
    %gather3A = vector.shape_cast %broadcast_in_dim3A_53 : vector<16x1xi32> to vector<16xi32>
    %gather3A_54 = tpu.dynamic_gather %while3A_47[%gather3A] in [0] : vector<16xi32>, vector<16xi32> -> vector<16xi32>
    %max3A_55 = arith.maxsi %while3A_47, %gather3A_54 : vector<16xi32>
    %sub3A_56 = arith.constant 2 : i32
    %sub3A_57 = vector.broadcast %sub3A_56 : i32 to vector<16xi32>
    %sub3A_58 = arith.subi %iota3A, %sub3A_57 : vector<16xi32>
    %max3A_59 = arith.constant 0 : i32
    %max3A_60 = vector.broadcast %max3A_59 : i32 to vector<16xi32>
    %max3A_61 = arith.maxsi %sub3A_58, %max3A_60 : vector<16xi32>
    %broadcast_in_dim3A_62 = vector.shape_cast %max3A_61 : vector<16xi32> to vector<16x1xi32>
    %gather3A_63 = vector.shape_cast %broadcast_in_dim3A_62 : vector<16x1xi32> to vector<16xi32>
    %gather3A_64 = tpu.dynamic_gather %max3A_55[%gather3A_63] in [0] : vector<16xi32>, vector<16xi32> -> vector<16xi32>
    %max3A_65 = arith.maxsi %max3A_55, %gather3A_64 : vector<16xi32>
    %sub3A_66 = arith.constant 4 : i32
    %sub3A_67 = vector.broadcast %sub3A_66 : i32 to vector<16xi32>
    %sub3A_68 = arith.subi %iota3A, %sub3A_67 : vector<16xi32>
    %max3A_69 = arith.constant 0 : i32
    %max3A_70 = vector.broadcast %max3A_69 : i32 to vector<16xi32>
    %max3A_71 = arith.maxsi %sub3A_68, %max3A_70 : vector<16xi32>
    %broadcast_in_dim3A_72 = vector.shape_cast %max3A_71 : vector<16xi32> to vector<16x1xi32>
    %gather3A_73 = vector.shape_cast %broadcast_in_dim3A_72 : vector<16x1xi32> to vector<16xi32>
    %gather3A_74 = tpu.dynamic_gather %max3A_65[%gather3A_73] in [0] : vector<16xi32>, vector<16xi32> -> vector<16xi32>
    %max3A_75 = arith.maxsi %max3A_65, %gather3A_74 : vector<16xi32>
    %sub3A_76 = arith.constant 8 : i32
    %sub3A_77 = vector.broadcast %sub3A_76 : i32 to vector<16xi32>
    %sub3A_78 = arith.subi %iota3A, %sub3A_77 : vector<16xi32>
    %max3A_79 = arith.constant 0 : i32
    %max3A_80 = vector.broadcast %max3A_79 : i32 to vector<16xi32>
    %max3A_81 = arith.maxsi %sub3A_78, %max3A_80 : vector<16xi32>
    %broadcast_in_dim3A_82 = vector.shape_cast %max3A_81 : vector<16xi32> to vector<16x1xi32>
    %gather3A_83 = vector.shape_cast %broadcast_in_dim3A_82 : vector<16x1xi32> to vector<16xi32>
    %gather3A_84 = tpu.dynamic_gather %max3A_75[%gather3A_83] in [0] : vector<16xi32>, vector<16xi32> -> vector<16xi32>
    %max3A_85 = arith.maxsi %max3A_75, %gather3A_84 : vector<16xi32>
    %broadcast_in_dim3A_86 = vector.shape_cast %broadcast_in_dim3A_33 : vector<16xi32> to vector<16x1xi32>
    %gather3A_87 = vector.shape_cast %broadcast_in_dim3A_86 : vector<16x1xi32> to vector<16xi32>
    %gather3A_88 = tpu.dynamic_gather %max3A_85[%gather3A_87] in [0] : vector<16xi32>, vector<16xi32> -> vector<16xi32>
    %mul3A_89 = arith.constant 1024 : i32
    %mul3A_90 = arith.muli %select_n3A_30, %mul3A_89 : i32
    %scan3A = arith.constant 0 : i32
    %scan3A_91 = arith.constant 64 : i32
    %scan3A_92 = arith.addi %scan3A, %scan3A_91 : i32
    %scan3A_93 = arith.constant 1 : i32
    %scan3A_94 = scf.for %scan3A_98 = %scan3A to %scan3A_92 step %scan3A_93 iter_args(%scan3A_99 = %gather3A_88) -> (vector<16xi32>)  : i32 {
      %mul3A_100 = arith.constant 16 : i32
      %mul3A_101 = arith.muli %scan3A_98, %mul3A_100 : i32
      %add3A_102 = arith.addi %mul3A_90, %mul3A_101 : i32
      %get3A = arith.index_cast %add3A_102 : i32 to index
      %get3A_103 = tpu.vector_load %arg4[%get3A] {strides = array<i32>} : memref<8192xi32, #tpu.memory_space<vmem>>, vector<16xi32>,
      %get3A_104 = vector.shape_cast %get3A_103 : vector<16xi32> to vector<16xi32>
      %add3A_105 = vector.broadcast %add3A_102 : i32 to vector<16xi32>
      %add3A_106 = arith.addi %add3A_105, %iota3A : vector<16xi32>
      %lt3A_107 = arith.constant 128 : i32
      %lt3A_108 = vector.broadcast %lt3A_107 : i32 to vector<16xi32>
      %lt3A_109 = arith.cmpi slt, %get3A_104, %lt3A_108 : vector<16xi32>
      %ge3A = arith.constant 128 : i32
      %ge3A_110 = vector.broadcast %ge3A : i32 to vector<16xi32>
      %ge3A_111 = arith.cmpi sge, %get3A_104, %ge3A_110 : vector<16xi32>
      %lt3A_112 = arith.constant 160 : i32
      %lt3A_113 = vector.broadcast %lt3A_112 : i32 to vector<16xi32>
      %lt3A_114 = arith.cmpi slt, %get3A_104, %lt3A_113 : vector<16xi32>
      %and3A_115 = arith.andi %ge3A_111, %lt3A_114 : vector<16xi1>
      %shift_left3A = arith.constant 7 : i32
      %shift_left3A_116 = vector.broadcast %shift_left3A : i32 to vector<16xi32>
      %shift_left3A_117 = arith.shli %add3A_106, %shift_left3A_116 : vector<16xi32>
      %or3A = arith.ori %shift_left3A_117, %get3A_104 : vector<16xi32>
      %jit3A_118 = arith.constant -1 : i32
      %broadcast_in_dim3A_119 = vector.broadcast %jit3A_118 : i32 to vector<16xi32>
      %select_n3A_120 = arith.select %lt3A_109, %or3A, %broadcast_in_dim3A_119 : vector<16xi1>, vector<16xi32>
      %sub3A_121 = arith.constant 1 : i32
      %sub3A_122 = vector.broadcast %sub3A_121 : i32 to vector<16xi32>
      %sub3A_123 = arith.subi %iota3A, %sub3A_122 : vector<16xi32>
      %max3A_124 = arith.constant 0 : i32
      %max3A_125 = vector.broadcast %max3A_124 : i32 to vector<16xi32>
      %max3A_126 = arith.maxsi %sub3A_123, %max3A_125 : vector<16xi32>
      %broadcast_in_dim3A_127 = vector.shape_cast %max3A_126 : vector<16xi32> to vector<16x1xi32>
      %gather3A_128 = vector.shape_cast %broadcast_in_dim3A_127 : vector<16x1xi32> to vector<16xi32>
      %gather3A_129 = tpu.dynamic_gather %select_n3A_120[%gather3A_128] in [0] : vector<16xi32>, vector<16xi32> -> vector<16xi32>
      %max3A_130 = arith.maxsi %select_n3A_120, %gather3A_129 : vector<16xi32>
      %sub3A_131 = arith.constant 2 : i32
      %sub3A_132 = vector.broadcast %sub3A_131 : i32 to vector<16xi32>
      %sub3A_133 = arith.subi %iota3A, %sub3A_132 : vector<16xi32>
      %max3A_134 = arith.constant 0 : i32
      %max3A_135 = vector.broadcast %max3A_134 : i32 to vector<16xi32>
      %max3A_136 = arith.maxsi %sub3A_133, %max3A_135 : vector<16xi32>
      %broadcast_in_dim3A_137 = vector.shape_cast %max3A_136 : vector<16xi32> to vector<16x1xi32>
      %gather3A_138 = vector.shape_cast %broadcast_in_dim3A_137 : vector<16x1xi32> to vector<16xi32>
      %gather3A_139 = tpu.dynamic_gather %max3A_130[%gather3A_138] in [0] : vector<16xi32>, vector<16xi32> -> vector<16xi32>
      %max3A_140 = arith.maxsi %max3A_130, %gather3A_139 : vector<16xi32>
      %sub3A_141 = arith.constant 4 : i32
      %sub3A_142 = vector.broadcast %sub3A_141 : i32 to vector<16xi32>
      %sub3A_143 = arith.subi %iota3A, %sub3A_142 : vector<16xi32>
      %max3A_144 = arith.constant 0 : i32
      %max3A_145 = vector.broadcast %max3A_144 : i32 to vector<16xi32>
      %max3A_146 = arith.maxsi %sub3A_143, %max3A_145 : vector<16xi32>
      %broadcast_in_dim3A_147 = vector.shape_cast %max3A_146 : vector<16xi32> to vector<16x1xi32>
      %gather3A_148 = vector.shape_cast %broadcast_in_dim3A_147 : vector<16x1xi32> to vector<16xi32>
      %gather3A_149 = tpu.dynamic_gather %max3A_140[%gather3A_148] in [0] : vector<16xi32>, vector<16xi32> -> vector<16xi32>
      %max3A_150 = arith.maxsi %max3A_140, %gather3A_149 : vector<16xi32>
      %sub3A_151 = arith.constant 8 : i32
      %sub3A_152 = vector.broadcast %sub3A_151 : i32 to vector<16xi32>
      %sub3A_153 = arith.subi %iota3A, %sub3A_152 : vector<16xi32>
      %max3A_154 = arith.constant 0 : i32
      %max3A_155 = vector.broadcast %max3A_154 : i32 to vector<16xi32>
      %max3A_156 = arith.maxsi %sub3A_153, %max3A_155 : vector<16xi32>
      %broadcast_in_dim3A_157 = vector.shape_cast %max3A_156 : vector<16xi32> to vector<16x1xi32>
      %gather3A_158 = vector.shape_cast %broadcast_in_dim3A_157 : vector<16x1xi32> to vector<16xi32>
      %gather3A_159 = tpu.dynamic_gather %max3A_150[%gather3A_158] in [0] : vector<16xi32>, vector<16xi32> -> vector<16xi32>
      %max3A_160 = arith.maxsi %max3A_150, %gather3A_159 : vector<16xi32>
      %max3A_161 = arith.maxsi %max3A_160, %scan3A_99 : vector<16xi32>
      %max3A_162 = arith.constant 0 : i32
      %max3A_163 = vector.broadcast %max3A_162 : i32 to vector<16xi32>
      %max3A_164 = arith.maxsi %max3A_161, %max3A_163 : vector<16xi32>
      %and3A_165 = arith.constant 127 : i32
      %and3A_166 = vector.broadcast %and3A_165 : i32 to vector<16xi32>
      %and3A_167 = arith.andi %max3A_164, %and3A_166 : vector<16xi32>
      %add3A_168 = arith.constant 128 : i32
      %add3A_169 = vector.broadcast %add3A_168 : i32 to vector<16xi32>
      %add3A_170 = arith.addi %and3A_167, %add3A_169 : vector<16xi32>
      %jit3A_171 = arith.constant 256 : i32
      %broadcast_in_dim3A_172 = vector.broadcast %jit3A_171 : i32 to vector<16xi32>
      %select_n3A_173 = arith.select %and3A_115, %add3A_170, %broadcast_in_dim3A_172 : vector<16xi1>, vector<16xi32>
      %select_n3A_174 = arith.select %lt3A_109, %get3A_104, %select_n3A_173 : vector<16xi1>, vector<16xi32>
      %sub3A_175 = arith.constant 128 : i32
      %sub3A_176 = vector.broadcast %sub3A_175 : i32 to vector<16xi32>
      %sub3A_177 = arith.subi %get3A_104, %sub3A_176 : vector<16xi32>
      %jit3A_178 = arith.constant 32 : i32
      %broadcast_in_dim3A_179 = vector.broadcast %jit3A_178 : i32 to vector<16xi32>
      %select_n3A_180 = arith.select %and3A_115, %sub3A_177, %broadcast_in_dim3A_179 : vector<16xi1>, vector<16xi32>
      %shift_left3A_181 = arith.constant 9 : i32
      %shift_left3A_182 = vector.broadcast %shift_left3A_181 : i32 to vector<16xi32>
      %shift_left3A_183 = arith.shli %select_n3A_180, %shift_left3A_182 : vector<16xi32>
      %or3A_184 = arith.ori %select_n3A_174, %shift_left3A_183 : vector<16xi32>
      %mul3A_185 = arith.constant 16 : i32
      %mul3A_186 = arith.muli %scan3A_98, %mul3A_185 : i32
      %swap3A = arith.index_cast %mul3A_186 : i32 to index
      %swap3A_187 = tpu.vector_load %arg5[%swap3A] {strides = array<i32>} : memref<1024xi32, #tpu.memory_space<vmem>>, vector<16xi32>,
      %swap3A_188 = vector.shape_cast %swap3A_187 : vector<16xi32> to vector<16xi32>
      %swap3A_189 = vector.shape_cast %or3A_184 : vector<16xi32> to vector<16xi32>
      tpu.vector_store %arg5[%swap3A], %swap3A_189 {strides = array<i32>} : memref<1024xi32, #tpu.memory_space<vmem>>, vector<16xi32>,
      %broadcast_in_dim3A_190 = vector.shape_cast %broadcast_in_dim3A_33 : vector<16xi32> to vector<16x1xi32>
      %gather3A_191 = vector.shape_cast %broadcast_in_dim3A_190 : vector<16x1xi32> to vector<16xi32>
      %gather3A_192 = tpu.dynamic_gather %max3A_161[%gather3A_191] in [0] : vector<16xi32>, vector<16xi32> -> vector<16xi32>
      scf.yield %gather3A_192 : vector<16xi32>
    }
    %scan3A_95 = arith.constant 64 : i32
    %mul3A_96 = arith.constant 1024 : i32
    %mul3A_97 = arith.muli %add3A, %mul3A_96 : i32
    "tpu.region"() ({
      %run_scoped3A = tpu.sem_alloc : memref<!tpu.dma_semaphore, #tpu.memory_space<semaphore_mem>>
      %dma_start3A = tpu.memref_slice %arg3[%mul3A_97] : memref<32768xi32, #tpu.memory_space<hbm>> -> memref<1024xi32, #tpu.memory_space<hbm>>
      %dma_start3A_98 = tpu.memref_slice %arg3[%mul3A_97] : memref<32768xi32, #tpu.memory_space<hbm>> -> memref<1024xi32, #tpu.memory_space<hbm>>
      tpu.enqueue_dma source(%arg5 : memref<1024xi32, #tpu.memory_space<vmem>>) target(%dma_start3A_98 : memref<1024xi32, #tpu.memory_space<hbm>>) target_semaphore(%run_scoped3A : memref<!tpu.dma_semaphore, #tpu.memory_space<semaphore_mem>>)
      %dma_wait3A = tpu.memref_slice %arg3[%mul3A_97] : memref<32768xi32, #tpu.memory_space<hbm>> -> memref<1024xi32, #tpu.memory_space<hbm>>
      %dma_wait3A_99 = tpu.memref_slice %arg3[%mul3A_97] : memref<32768xi32, #tpu.memory_space<hbm>> -> memref<1024xi32, #tpu.memory_space<hbm>>
      tpu.wait_dma2 semaphore(%run_scoped3A : memref<!tpu.dma_semaphore, #tpu.memory_space<semaphore_mem>>) src(%arg5 : memref<1024xi32, #tpu.memory_space<vmem>>) dst(%dma_wait3A_99 : memref<1024xi32, #tpu.memory_space<hbm>>)
      tpu.yield
    }) : () -> ()
    return
  }
}

module attributes {stable_mosaic.version = 14 : i64} {
  func.func @_tc_body(%arg0: i32, %arg1: memref<1x1x512xi32, #tpu.memory_space<vmem>>, %arg2: memref<256x512xbf16, #tpu.memory_space<vmem>>, %arg3: memref<32x512xbf16, #tpu.memory_space<vmem>>, %arg4: memref<512x1024xf32, #tpu.memory_space<vmem>>) attributes {dimension_semantics = [#tpu.dimension_semantics<arbitrary>], iteration_bounds = array<i64: 64>, scalar_prefetch = 0 : i64, scratch_operands = 0 : i64, tpu.core_type = #tpu.core_type<tc>, window_params = [{transform_indices = @transform_0, window_bounds = array<i64: 1, 1, 512>}, {pipeline_mode = #tpu.pipeline_mode<synchronous>, transform_indices = @transform_1, window_bounds = array<i64: 256, 512>}, {pipeline_mode = #tpu.pipeline_mode<synchronous>, transform_indices = @transform_2, window_bounds = array<i64: 32, 512>}, {transform_indices = @transform_3, window_bounds = array<i64: 512, 1024>}]} {
    %get3A = arith.constant 0 : index
    %get3A_0 = arith.constant 0 : index
    %get3A_1 = arith.constant 0 : index
    %get3A_2 = vector.load %arg1[%get3A, %get3A_0, %get3A_1] : memref<1x1x512xi32, #tpu.memory_space<vmem>>, vector<1x1x512xi32>
    %get3A_3 = vector.shape_cast %get3A_2 : vector<1x1x512xi32> to vector<1x512xi32>
    %and3A = arith.constant 511 : i32
    %and3A_4 = vector.broadcast %and3A : i32 to vector<1x512xi32>
    %and3A_5 = arith.andi %get3A_3, %and3A_4 : vector<1x512xi32>
    %shift_right_arithmetic3A = arith.constant 9 : i32
    %shift_right_arithmetic3A_6 = vector.broadcast %shift_right_arithmetic3A : i32 to vector<1x512xi32>
    %shift_right_arithmetic3A_7 = arith.shrsi %get3A_3, %shift_right_arithmetic3A_6 : vector<1x512xi32>
    %iota3A = tpu.iota {dimensions = array<i32: 0>} : vector<256x512xi32>
    %eq3A = vector.broadcast %and3A_5 : vector<1x512xi32> to vector<256x512xi32>
    %eq3A_8 = arith.cmpi eq, %iota3A, %eq3A : vector<256x512xi32>
    %convert_element_type3A = arith.extui %eq3A_8 : vector<256x512xi1> to vector<256x512xi32>
    %convert_element_type3A_9 = arith.sitofp %convert_element_type3A : vector<256x512xi32> to vector<256x512xf32>
    %convert_element_type3A_10 = arith.truncf %convert_element_type3A_9 : vector<256x512xf32> to vector<256x512xbf16>
    %iota3A_11 = tpu.iota {dimensions = array<i32: 0>} : vector<32x512xi32>
    %eq3A_12 = vector.broadcast %shift_right_arithmetic3A_7 : vector<1x512xi32> to vector<32x512xi32>
    %eq3A_13 = arith.cmpi eq, %iota3A_11, %eq3A_12 : vector<32x512xi32>
    %convert_element_type3A_14 = arith.extui %eq3A_13 : vector<32x512xi1> to vector<32x512xi32>
    %convert_element_type3A_15 = arith.sitofp %convert_element_type3A_14 : vector<32x512xi32> to vector<32x512xf32>
    %convert_element_type3A_16 = arith.truncf %convert_element_type3A_15 : vector<32x512xf32> to vector<32x512xbf16>
    %get3A_17 = arith.constant 0 : index
    %get3A_18 = arith.constant 0 : index
    %get3A_19 = vector.load %arg2[%get3A_17, %get3A_18] : memref<256x512xbf16, #tpu.memory_space<vmem>>, vector<256x512xbf16>
    %dot_general3A = arith.constant dense<0.000000e+00> : vector<512x512xf32>
    %dot_general3A_20 = tpu.matmul %convert_element_type3A_10, %get3A_19, %dot_general3A {dimension_numbers = #tpu.dot_dimension_numbers<[0], [0], [1], [1], [0, 1, 1, 1], [], []>, transpose_lhs_hint = false} : vector<256x512xbf16>, vector<256x512xbf16>, vector<512x512xf32> -> vector<512x512xf32>
    %get3A_21 = arith.constant 0 : index
    %get3A_22 = arith.constant 0 : index
    %get3A_23 = vector.load %arg3[%get3A_21, %get3A_22] : memref<32x512xbf16, #tpu.memory_space<vmem>>, vector<32x512xbf16>
    %dot_general3A_24 = arith.constant dense<0.000000e+00> : vector<512x512xf32>
    %dot_general3A_25 = tpu.matmul %convert_element_type3A_16, %get3A_23, %dot_general3A_24 {dimension_numbers = #tpu.dot_dimension_numbers<[0], [0], [1], [1], [0, 1, 1, 1], [], []>, transpose_lhs_hint = false} : vector<32x512xbf16>, vector<32x512xbf16>, vector<512x512xf32> -> vector<512x512xf32>
    %swap3A = arith.constant 0 : index
    %swap3A_26 = arith.constant 0 : index
    %swap3A_27 = vector.load %arg4[%swap3A, %swap3A_26] : memref<512x1024xf32, #tpu.memory_space<vmem>>, vector<512x512xf32>
    tpu.vector_store %arg4[%swap3A, %swap3A_26], %dot_general3A_20 {strides = array<i32>} : memref<512x1024xf32, #tpu.memory_space<vmem>>, vector<512x512xf32>,
    %swap3A_28 = arith.constant 0 : index
    %swap3A_29 = arith.constant 512 : index
    %swap3A_30 = vector.load %arg4[%swap3A_28, %swap3A_29] : memref<512x1024xf32, #tpu.memory_space<vmem>>, vector<512x512xf32>
    tpu.vector_store %arg4[%swap3A_28, %swap3A_29], %dot_general3A_25 {strides = array<i32>} : memref<512x1024xf32, #tpu.memory_space<vmem>>, vector<512x512xf32>,
    return
  }
  func.func @transform_0(%arg0: i32) -> (i32, i32, i32) {
    %c0_i32 = arith.constant 0 : i32
    %c0_i32_0 = arith.constant 0 : i32
    %c0_i32_1 = arith.constant 0 : i32
    return %arg0, %c0_i32, %c0_i32_0 : i32, i32, i32
  }
  func.func @transform_1(%arg0: i32) -> (i32, i32) {
    %c0_i32 = arith.constant 0 : i32
    %c0_i32_0 = arith.constant 0 : i32
    %c0_i32_1 = arith.constant 0 : i32
    return %c0_i32, %c0_i32_0 : i32, i32
  }
  func.func @transform_2(%arg0: i32) -> (i32, i32) {
    %c0_i32 = arith.constant 0 : i32
    %c0_i32_0 = arith.constant 0 : i32
    %c0_i32_1 = arith.constant 0 : i32
    return %c0_i32, %c0_i32_0 : i32, i32
  }
  func.func @transform_3(%arg0: i32) -> (i32, i32) {
    %c0_i32 = arith.constant 0 : i32
    %c0_i32_0 = arith.constant 0 : i32
    return %arg0, %c0_i32 : i32, i32
  }
}

</mosaic_0001>

<sc_bundles>
// kernel: kernel.4.cloned.1.call-start
scs
__scs_entry_jumppad:
0x0: {  	(pc) =	sbr.rel $0x88, $3  }
0x1: {  	(tag) =	ssettag $0x0;
	lr =	simm.s32 $0x1  }
0x2: {  	[smem:$0x3F9E] =	sst lr;
	_ =	strace $0xD0000000  }
0x3: {  	_ = 	snop  }
0x4: {  	_ = 	snop  }
0x5: {  	_ = 	snop  }
0x6: {  	_ = 	snop  }
0x7: {  	_ = 	snop  }
__scs_overlays_trampoline_lowered:
0x8: {  	[smem:$0x3FAD] =	sst s0  }
0x9: {  	[smem:$0x3FAE] =	sst s1  }
0xa: {  	[smem:$0x3FAF] =	sst s2  }
0xb: {  	[smem:$0x3FB0] =	sst s3  }
0xc: {  	[smem:$0x3FB1] =	sst s4  }
0xd: {  	[smem:$0x3FB2] =	sst s5  }
0xe: {  	[smem:$0x3FB3] =	sst s6  }
0xf: {  	[smem:$0x3FB4] =	sst s7  }
0x10: {  	[smem:$0x3FB5] =	sst s8  }
0x11: {  	[smem:$0x3FB6] =	sst s9;
	s0 =	simm.s32 @!p0 $0x0  }
0x12: {  	s1 =	sld [smem:$0x3F9C];
	s0 =	simm.s32 @p0 $0x1  }
0x13: {  	[smem:$0x3FB7] =	sst s0;
	s0 =	simm.s32 @!p1 $0x0  }
0x14: {  	s2 =	sld [smem:$0x3F9B];
	s0 =	simm.s32 @p1 $0x1  }
0x15: {  	[smem:$0x3FB8] =	sst s0;
	s0 =	simm.s32 @!p2 $0x0  }
0x16: {  	s3 =	sld [smem:$0x3FDB];
	s0 =	simm.s32 @p2 $0x1  }
0x17: {  	s4 =	simm.s32 $0x1BF5;
	[smem:$0x3FBA] =	sst s0  }
0x18: {  	s0 =	sld [smem:$0x3F9D];
	_ =	swait.ge [sflag:s4], $0x0  }
0x19: {  	s7 =	sld [smem:$0x3F9E]  }
0x1a: {  	s8 =	sadd.s32 $0xFFFFE003, lr  }
0x1b: {  	s9 =	sadd.s32 $0xFFFFFEF7, lr;
	s5 =	simm.s32 $0xFFFFFFFF;
	p2 =	slt.u32 s8, $0xFFFFF086  }
0x1c: {  	p1 =	slt.u32 s9, $0xF7A;
	s5 =	simm.s32 @!p2 $0x0  }
0x1d: {  	s5 =	simm.s32 @p1 $0x1;
	p0 =	seq.s32 s7, s2  }
0x1e: {  	s7 =	smul.u32 @!p0 $0xF7A, s2;
	p2 =	seq.s32 @!p0 s5, $0x0  }
0x1f: {  	s9 =	smul.u32 $0xF7A, s1;
	s8 =	simm.s32 @!p0 $0x1BF5;
	p2 =	por !p2, p0  }
0x20: {  	[sflag:s8] =	ssyncset.s32 @!p0 $0xFFFFF086;
	s6 =	sadd.s32 @!p0 s3, s7;
	s7 =	simm.s32 @!p0 $0x108  }
0x21: {  	s3 =	sadd.s32 s3, s9;
	s6 =	sadd.s32 @!p0 $0x88, s6;
	s7 =	simm.s32 @p2 $0x1082  }
0x22: {  	[simem:s7], [sflag:s8] =	dma.local @!p0 [hbm:s6], $0xF7A  }
0x23: {  	s9 =	sor.u32 $0xD0000000, s2;
	s6 =	simm.s32 $0x108;
	_ =	swait.ge @!p0 [sflag:s8], $0x0  }
0x24: {  	s3 =	sadd.s32 $0x88, s3;
	s6 =	simm.s32 @!p1 $0x1082;
	[sflag:s4] =	ssyncset.s32 $0xFFFFF086  }
0x25: {  	[simem:s6], [sflag:s4] =	dma.local [hbm:s3], $0xF7A  }
0x26: {  	[smem:$0x3F9E] =	sst s1;
	(tag) =	ssettag s2;
	_ =	strace s9  }
0x27: {  	s1 =	sld [smem:$0x3FAE]  }
0x28: {  	s2 =	sld [smem:$0x3FAF]  }
0x29: {  	s4 =	sld [smem:$0x3FB1]  }
0x2a: {  	p0 =	seq.s32 s5, $0x0;
	s5 =	sld [smem:$0x3FB2]  }
0x2b: {  	s6 =	sld [smem:$0x3FB3]  }
0x2c: {  	s7 =	sld [smem:$0x3FB4]  }
0x2d: {  	s3 =	simm.s32 $0x108;
	s8 =	sld [smem:$0x3FB5]  }
0x2e: {  	s3 =	simm.s32 @!p0 $0x1082;
	s9 =	sld [smem:$0x3FB6]  }
0x2f: {  	lr =	sadd.s32 s0, s3;
	s0 =	sld [smem:$0x3FAD]  }
0x30: {  	s3 =	sld [smem:$0x3FB0]  }
0x31: {  	[smem:$0x3FB9] =	sst s10  }
0x32: {  	s10 =	sld [smem:$0x3FB7];
	_ =	sdelay $0x3  }
0x33: {  	p0 =	seq.s32 s10, $0x1;
	s10 =	sld [smem:$0x3FB9];
	_ =	sdelay $0x3  }
0x34: {  	[smem:$0x3FB9] =	sst s10  }
0x35: {  	s10 =	sld [smem:$0x3FB8];
	_ =	sdelay $0x3  }
0x36: {  	p1 =	seq.s32 s10, $0x1;
	s10 =	sld [smem:$0x3FB9];
	_ =	sdelay $0x3  }
0x37: {  	[smem:$0x3FB9] =	sst s10  }
0x38: {  	s10 =	sld [smem:$0x3FBA]  }
0x39: {  	_ = 	snop;
	(pc) =	sbr.ind lr, $3  }
0x3a: {  	_ = 	snop  }
0x3b: {  	_ = 	snop  }
0x3c: {  	p2 =	seq.s32 s10, $0x1;
	s10 =	sld [smem:$0x3FB9]  }
0x3d: {  	_ =	shalt  }
0x3e: {  	_ =	shalt  }
0x3f: {  	_ =	shalt  }
0x40: {  	_ =	shalt  }
0x41: {  	_ =	shalt  }
0x42: {  	_ =	shalt  }
0x43: {  	_ =	shalt  }
0x44: {  	_ =	shalt  }
0x45: {  	_ =	shalt  }
0x46: {  	_ =	shalt  }
0x47: {  	_ =	shalt  }
0x48: {  	_ =	shalt  }
0x49: {  	_ =	shalt  }
0x4a: {  	_ =	shalt  }
0x4b: {  	_ =	shalt  }
0x4c: {  	_ =	shalt  }
0x4d: {  	_ =	shalt  }
0x4e: {  	_ =	shalt  }
0x4f: {  	_ =	shalt  }
0x50: {  	_ =	shalt  }
0x51: {  	_ =	shalt  }
0x52: {  	_ =	shalt  }
0x53: {  	_ =	shalt  }
0x54: {  	_ =	shalt  }
0x55: {  	_ =	shalt  }
0x56: {  	_ =	shalt  }
0x57: {  	_ =	shalt  }
0x58: {  	_ =	shalt  }
0x59: {  	_ =	shalt  }
0x5a: {  	_ =	shalt  }
0x5b: {  	_ =	shalt  }
0x5c: {  	_ =	shalt  }
0x5d: {  	_ =	shalt  }
0x5e: {  	_ =	shalt  }
0x5f: {  	_ =	shalt  }
0x60: {  	_ =	shalt  }
0x61: {  	_ =	shalt  }
0x62: {  	_ =	shalt  }
0x63: {  	_ =	shalt  }
0x64: {  	_ =	shalt  }
0x65: {  	_ =	shalt  }
0x66: {  	_ =	shalt  }
0x67: {  	_ =	shalt  }
0x68: {  	_ =	shalt  }
0x69: {  	_ =	shalt  }
0x6a: {  	_ =	shalt  }
0x6b: {  	_ =	shalt  }
0x6c: {  	_ =	shalt  }
0x6d: {  	_ =	shalt  }
0x6e: {  	_ =	shalt  }
0x6f: {  	_ =	shalt  }
0x70: {  	_ =	shalt  }
0x71: {  	_ =	shalt  }
0x72: {  	_ =	shalt  }
0x73: {  	_ =	shalt  }
0x74: {  	_ =	shalt  }
0x75: {  	_ =	shalt  }
0x76: {  	_ =	shalt  }
0x77: {  	_ =	shalt  }
0x78: {  	_ =	shalt  }
0x79: {  	_ =	shalt  }
0x7a: {  	_ =	shalt  }
0x7b: {  	_ =	shalt  }
0x7c: {  	_ =	shalt  }
0x7d: {  	_ =	shalt  }
0x7e: {  	_ =	shalt  }
0x7f: {  	_ =	shalt  }
0x80: {  	_ =	shalt  }
0x81: {  	_ =	shalt  }
0x82: {  	_ =	shalt  }
0x83: {  	_ =	shalt  }
0x84: {  	_ =	shalt  }
0x85: {  	_ =	shalt  }
0x86: {  	_ =	shalt  }
0x87: {  	_ =	shalt  }
.Lfunc_end0:
.L_simem_size_0:
called_computation_lowered:
.L_overlay_start_0:
0x88: {  	s2 =	sld [smem:$0x3FD9]  }
0x89: {  	s3 =	sld [smem:$0x3FFE];
	_ =	sdelay $0x1  }
0x8a: {  	s1 =	srdreg.scid  }
0x8b: {  	s0 =	sand.u32 $0x1, s1  }
0x8c: {  	s17 =	sshll.u32 s0, $0xA;
	s2 =	sadd.s32 s3, s2  }
0x8d: {  	s2 =	sadd.s32 s2, s17  }
0x8e: {  	[smem:$0x3FC5] =	sst s2  }
0x8f: {  	_ = 	snop  }
0x90: {  	s2 =	sld [smem:$0x3FD0];
	(tm) =	ssettm $0x1  }
0x91: {  	s18 =	sld [smem:$0x3FFB];
	_ =	sdelay $0x3  }
0x92: {  	_ =	strace s18  }
0x93: {  	s3 =	sld [smem:$0x3FFC];
	_ =	sdelay $0x3  }
0x94: {  	_ =	strace s3  }
0x95: {  	s3 =	sld [smem:$0x3FFD];
	_ =	sdelay $0x3  }
0x96: {  	_ =	strace s3  }
0x97: {  	_ =	strace $0x8FFFFFFF  }
0x98: {  	s19 =	sld [smem:$0x3FDB];
	_ =	sdelay $0x1  }
0x99: {  	s4 =	simm.s32 $_scs_section_size  }
0x9a: {  	s5 =	simm.s32 $_size__tile_overlayer_lowered;
	s6 =	simm.s32 $_tile_overlayer_lowered  }
0x9b: {  	s22 =	simm.s32 $0x1BFF;
	s21 =	sshll.u32 s6, $0x1;
	s3 =	sadd.s32 s4, s19  }
0x9c: {  	s7 =	simm.s32 $0x0;
	s20 =	sshll.u32 s5, $0x1;
	s5 =	sadd.s32 s21, s3  }
0x9d: {  	[timem:s7], [sflag:s22] =	dma.local [hbm:s5], s20  }
0x9e: {  	_ =	swait.ge [sflag:s22], s20  }
0x9f: {  	s4 =	ssub.s32 $0x0, s20;
	[sflag:s22] =	ssyncset.done $0x0  }
0xa0: {  	[sflag:s22] =	ssyncadd.s32 s4;
	_ =	sdelay $0x1  }
0xa1: {  	s23 =	simm.s32 $0x1B8B  }
0xa2: {  	_ =	swait.ge [sflag:s23], $0x1  }
0xa3: {  	[sflag:s23] =	ssyncset.done $0x0  }
0xa4: {  	s25 =	simm.s32 $0x1B8E;
	s24 =	sld [smem:$0x3FFE];
	[sflag:s23] =	ssyncadd.s32 $0xFFFFFFFF  }
0xa5: {  	s26 =	simm.s32 $execute0_lowered;
	[smem:$0x3FD2] =	sst s25  }
0xa6: {  	s5 =	sshll.u32 s26, $0x1;
	_ =	strace $0x80000046;
	[dreg:$0x1] =	wrdreg $0xFFFFFFFF  }
0xa7: {  	s28 =	simm.s32 $_size_execute0_lowered;
	s3 =	sadd.s32 s3, s5;
	[dreg:$0x0] =	wrdreg $0x0  }
0xa8: {  	s5 =	sshll.u32 s28, $0x1;
	[dreg:$0x2] =	wrdreg s3  }
0xa9: {  	[dreg:$0x3] =	wrdreg s5  }
0xaa: {  	[dreg:$0x4] =	wrdreg $0xC0  }
0xab: {  	_ =	task [dreg:s7], $0x5FFFF  }
0xac: {  	[dreg:$0x1] =	wrdreg $0xFFFFFFFF  }
0xad: {  	[dreg:$0x0] =	wrdreg $0x60  }
0xae: {  	[dreg:$0x2] =	wrdreg s2  }
0xaf: {  	[dreg:$0x3] =	wrdreg s24  }
0xb0: {  	[dreg:$0x4] =	wrdreg $0x9  }
0xb1: {  	_ =	task.clear_ibuf [dreg:s7], $0x5FFFF;
	_ =	strace $0x90000046  }
0xb2: {  	s29 =	simm.s32 $0x9;
	_ =	strace $0x80000048  }
0xb3: {  	_ =	swait.ge [sflag:s29], $0x1  }
0xb4: {  	[sflag:s29] =	ssyncadd.s32 $0xFFFFFFFF  }
0xb5: {  	_ =	strace $0x90000048  }
0xb6: {  	_ =	sfence  }
0xb7: {  	s30 =	sld [smem:$0x0];
	_ =	sdelay $0x2  }
0xb8: {  	s31 =	sshll.u32 s1, $0xD;
	s1 =	sshrl.u32 s1, $0x2  }
0xb9: {  	s3 =	sand.u32 $0x4000, s31;
	s1 =	sadd.s32 s1, s30  }
0xba: {  	s0 =	sor.u32 s3, s0;
	s1 =	sshll.u32 s1, $0x11  }
0xbb: {  	s0 =	sor.u32 s1, s0  }
0xbc: {  	s0 =	sadd.s32 $0x8F2B, s0  }
0xbd: {  	[sflag:s0] =	ssyncadd.remote.s32 $0x1  }
0xbe: {  	_ =	sfence.sel $0xFFFF  }
0xbf: {  	[dreg:$0x0] =	wrdreg $0xFFFFFFFF;
	(pc) =	sbr.abs _section_cstart, $3  }
0xc0: {  	[dreg:$0x1] =	wrdreg $0xFFFFFFFF  }
0xc1: {  	_ =	task.clear_ibuf [dreg:s7], $0x2FFFF;
	_ =	strace $0x9FFFFFFF  }
0xc2: {  	(tm) =	ssettm $0x7FFFFFFF  }
0xc3: {  	_ =	shalt  }
tec
execute0_lowered:
.L_overlay_start_1:
0x0: {  	(tag) =	ssettag $0x1  }
0x1: {  	v0 =	vimm.s32 $0xEDCBA987  }
0x2: {  	v1 =	vimm.s32 $0x65432100;
	v0 =	vunpack.c.l.s4.s8 v0  }
0x3: {  	s3 =	rddreg [dreg:$0x0];
	v1 =	vunpack.c.l.s4.s8 v1  }
0x4: {  	s4 =	rddreg [dreg:$0x1];
	v3 =	vimm.s32 $0xE40000;
	v0 =	vunpack.c.0.s8.s32 v0  }
0x5: {  	s0 =	rddreg [dreg:$0x2];
	v2 =	vimm.s32 $0x54321000;
	s5 =	srdreg.scid;
	v3 =	vunpack.c.l.s2.s4 v3;
	v1 =	vunpack.c.0.s8.s32 v1  }
0x6: {  	s1 =	stileid.u32;
	s2 =	simm.s32 $0x0;
	v4 =	vimm.s32 $0x32100000;
	v5 =	vimm.s32 $0xBA987654;
	s10 =	simm.s32 $0x0;
	v0 =	vand.u32 $0xF, v0  }
0x7: {  	s6 =	sand.u32 $0x1, s5;
	s25 =	sshll.u32 s1, $0x1;
	[smem:$0x7FF] =	sst s2;
	v3 =	vunpack.c.l.s4.s8 v3;
	v0 =	vcombine.low v1, v0;
	v1 =	vimm.s32 $0xDCBA9876  }
0x8: {  	v6 =	vimm.s32 $0x7060504;
	vm0 =	vcmask $0x3F30;
	s9 =	sshll.u32 s1, $0x8;
	s30 =	sand.u32 $0x3, s1;
	s5 =	sor.u32 s6, s25;
	v1 =	vunpack.c.l.s4.s8 v1  }
0x9: {  	v2 =	vunpack.c.l.s4.s8 v2;
	v5 =	vunpack.c.l.s4.s8 v5;
	_ =	strace $0x80000047;
	s8 =	ssub.s32 $0x2, s6;
	s29 =	sand.u32 $0xC00, s9;
	v3 =	vunpack.c.0.s8.s32 v3  }
0xa: {  	v4 =	vunpack.c.l.s4.s8 v4;
	s31 =	sshll.u32 s30, $0x7;
	s6 =	sshll.u32 s6, $0x6;
	s9 =	simm.s32 $0x2000;
	v7 =	vunpack.c.0.s8.s32 v1;
	v1 =	vunpack.c.0.s8.s32 v6  }
0xb: {  	v2 =	vunpack.c.0.s8.s32 v2;
	s7 =	sshll.u32 s5, $0x7;
	s26 =	sshrl.u32 s8, $0x1;
	s28 =	sand.u32 $0x7, s5;
	v5 =	vunpack.c.0.s8.s32 v5;
	v3 =	vand.u32 $0x3, v3  }
0xc: {  	s3 =	sadd.s32 s3, s29;
	v4 =	vunpack.c.0.s8.s32 v4;
	s6 =	sor.u32 s6, s31;
	s4 =	sadd.s32 s7, s4;
	v1 =	vsel vm0, v1, v3;
	v3 =	vand.u32 $0xF, v7  }
0xd: {  	s7 =	ssub.s32 s8, s26;
	p0 =	seq.s32 s28, $0x0;
	s8 =	simm.s32 $0x1;
	v2 =	vcombine.low v2, v3;
	v3 =	vand.u32 $0xF, v5;
	v5 =	vlaneseq.u32  }
0xe: {  	s4 =	sadd.s32 $0x800, s4;
	s5 =	smax.u32 s7, $0x1;
	s7 =	sshll.u32 s28, $0xA;
	v3 =	vcombine.low v4, v3;
	v4 =	vimm.s32 $0xF;
	v5 =	vmul.u32 $0x80, v5  }
.LBB2_1:
.Ltmp0:
0xf: {  	(pc) =	sbr.rel @p0 .LBB2_5-.Ltmp0, $4  }
0x10: {  	[tilespmem:s2], [sflag:$0x1] =	stream.linear.gather [hbm4b:s3+s2], $0x2000, $0x38;
	[tilespmem:$0x2400] =	vst v63  }
0x11: {  	_ =	swait.ge [sflag:s8], $0x2000  }
0x12: {  	[sflag:s8] =	ssyncset.done $0x0  }
0x13: {  	v6 =	vimm.s32 $0xFFFFFFFF;
	[sflag:s8] =	ssyncadd.s32 $0xFFFFE000  }
0x14: {  	v7 =	vld [tilespmem:s2+$0x0];
	p1 =	sne.s32 s6, $0x1  }
.Ltmp1:
0x15: {  	_ = 	snop;
	(pc) =	sbr.rel @!p1 .LBB2_4-.Ltmp1, $4  }
0x16: {  	v8 =	vmov s2  }
0x17: {  	v8 =	vshll.u32 v8, $0x7  }
0x18: {  	v8 =	vor.u32 v5, v8  }
0x19: {  	s11 =	sadd.s32 $0xFFFFFFFF, s6;
	s12 =	sadd.s32 $0x10, s2;
	s13 =	simm.s32 $0x0;
	vm0 =	vlt.s32 v7, $0x80;
	v7 =	vor.u32 v8, v7  }
.LBB2_3:
0x1a: {  	v8 =	vld [tilespmem:s12+$0x0];
	p1 =	sne.s32 s11, $0x1;
	s11 =	sadd.s32 $0xFFFFFFFF, s11;
	v7 =	vnsel vm0, $0xFFFFFFFF, v7  }
.Ltmp2:
0x1b: {  	s13 =	sadd.s32 $0x10, s13;
	vm0 =	vgt.s32 v6, v7;
	(pc) =	sbr.rel @p1 .LBB2_3-.Ltmp2, $4  }
0x1c: {  	v9 =	vmov s13;
	v6 =	vsel vm0, v6, v7  }
0x1d: {  	v7 =	vshll.u32 v9, $0x7  }
0x1e: {  	v7 =	vor.u32 v5, v7  }
0x1f: {  	s12 =	sadd.s32 $0x10, s12;
	vm0 =	vlt.s32 v8, $0x80;
	v7 =	vor.u32 v7, v8  }
.LBB2_4:
0x20: {  	v7 =	vnsel vm0, $0xFFFFFFFF, v7  }
0x21: {  	vm0 =	vgt.s32 v6, v7  }
0x22: {  	v6 =	vsel vm0, v6, v7  }
.LBB2_5:
0x23: {  	s11 =	simm.s32 $0x0;
	s12 =	sadd.s32 $0x0, s7  }
0x24: {  	s13 =	sand.u32 $0x1F80, s12;
	s11 =	sand.u32 $0x70, s11  }
0x25: {  	s11 =	sor.u32 s11, s13  }
0x26: {  	v7 =	vld [tilespmem:s11+$0x0];
	_ =	sdelay $0x1  }
0x27: {  	v8 =	vmov s12  }
0x28: {  	v8 =	vshll.u32 v8, $0x7  }
0x29: {  	v8 =	vor.u32 v5, v8  }
0x2a: {  	v9 =	vperm.xlane v6, v0;
	vm0 =	vlt.s32 v7, $0x80;
	v8 =	vor.u32 v8, v7  }
0x2b: {  	v8 =	vnsel vm0, $0xFFFFFFFF, v8  }
0x2c: {  	vm1 =	vgt.s32 v6, v9;
	v10 =	vperm.xlane v8, v0  }
0x2d: {  	v6 =	vsel vm1, v6, v9  }
0x2e: {  	v9 =	vperm.xlane v6, v2;
	vm8 =	vgt.s32 v8, v10  }
0x2f: {  	v8 =	vsel vm8, v8, v10  }
0x30: {  	vm9 =	vgt.s32 v6, v9;
	v10 =	vperm.xlane v8, v2  }
0x31: {  	v6 =	vsel vm9, v6, v9  }
0x32: {  	v9 =	vperm.xlane v6, v3;
	vm10 =	vgt.s32 v8, v10  }
0x33: {  	v8 =	vsel vm10, v8, v10  }
0x34: {  	vm11 =	vgt.s32 v6, v9;
	v10 =	vperm.xlane v8, v3  }
0x35: {  	v6 =	vsel vm11, v6, v9  }
0x36: {  	v9 =	vperm.xlane v6, v1;
	vm12 =	vgt.s32 v8, v10  }
0x37: {  	v8 =	vsel vm12, v8, v10  }
0x38: {  	vm13 =	vgt.s32 v6, v9;
	v10 =	vperm.xlane v8, v1  }
0x39: {  	v6 =	vsel vm13, v6, v9  }
0x3a: {  	v6 =	vperm.xlane v6, v4;
	vm14 =	vgt.s32 v8, v10  }
0x3b: {  	v8 =	vsel vm14, v8, v10  }
0x3c: {  	vm1 =	vgt.s32 v8, v6  }
0x3d: {  	v6 =	vsel vm1, v8, v6  }
0x3e: {  	vm1 =	vgt.s32 v6, $0x0  }
0x3f: {  	v8 =	vnsel vm1, $0x0, v6  }
0x40: {  	v9 =	vand.u32 $0xFFFFFFE0, v7;
	v8 =	vand.u32 $0x7F, v8  }
0x41: {  	vm15 =	veq.s32 v9, $0x80;
	v9 =	vshll.u32 v7, $0x9;
	v8 =	vor.u32 $0x80, v8  }
0x42: {  	s14 =	sadd.s32 $0x10, s7;
	v9 =	vadd.s32 $0xFFFF0000, v9;
	v8 =	vnsel vm15, $0x100, v8  }
0x43: {  	s12 =	simm.s32 $0x10;
	s13 =	simm.s32 $0x20;
	s11 =	simm.s32 $0x2000;
	v6 =	vperm.xlane v6, v4;
	v7 =	vsel vm0, v7, v8;
	v8 =	vnsel vm15, $0x4000, v9  }
.LBB2_6:
0x44: {  	p1 =	sne.s32 s13, $0x3F0;
	s15 =	sand.u32 $0x1F80, s14;
	s12 =	sand.u32 $0x70, s12;
	v7 =	vor.u32 v8, v7  }
0x45: {  	s15 =	sor.u32 s12, s15;
	[tilespmem:s11+$0x0] =	vst v7;
	s12 =	smov.u32 s13  }
0x46: {  	v7 =	vld [tilespmem:s15+$0x0];
	_ =	sdelay $0x1  }
0x47: {  	v8 =	vmov s14  }
0x48: {  	v8 =	vshll.u32 v8, $0x7  }
0x49: {  	v8 =	vor.u32 v5, v8  }
0x4a: {  	vm0 =	vlt.s32 v7, $0x80;
	v8 =	vor.u32 v8, v7  }
0x4b: {  	v8 =	vnsel vm0, $0xFFFFFFFF, v8  }
0x4c: {  	v9 =	vperm.xlane v8, v0;
	_ =	sdelay $0x1  }
0x4d: {  	vm1 =	vgt.s32 v8, v9  }
0x4e: {  	v8 =	vsel vm1, v8, v9  }
0x4f: {  	v9 =	vperm.xlane v8, v2;
	_ =	sdelay $0x1  }
0x50: {  	vm1 =	vgt.s32 v8, v9  }
0x51: {  	v8 =	vsel vm1, v8, v9  }
0x52: {  	v9 =	vperm.xlane v8, v3;
	_ =	sdelay $0x1  }
0x53: {  	vm1 =	vgt.s32 v8, v9  }
0x54: {  	v8 =	vsel vm1, v8, v9  }
0x55: {  	v9 =	vperm.xlane v8, v1;
	_ =	sdelay $0x1  }
0x56: {  	vm1 =	vgt.s32 v8, v9  }
0x57: {  	v8 =	vsel vm1, v8, v9  }
0x58: {  	vm1 =	vgt.s32 v8, v6  }
0x59: {  	v8 =	vsel vm1, v8, v6  }
0x5a: {  	vm1 =	vgt.s32 v8, $0x0;
	v6 =	vperm.xlane v8, v4  }
.Ltmp3:
0x5b: {  	v8 =	vnsel vm1, $0x0, v8;
	(pc) =	sbr.rel @p1 .LBB2_6-.Ltmp3, $4  }
0x5c: {  	v9 =	vand.u32 $0xFFFFFFE0, v7;
	v8 =	vand.u32 $0x7F, v8  }
0x5d: {  	vm1 =	veq.s32 v9, $0x80;
	v9 =	vshll.u32 v7, $0x9;
	v8 =	vor.u32 $0x80, v8  }
0x5e: {  	v9 =	vadd.s32 $0xFFFF0000, v9;
	v8 =	vnsel vm1, $0x100, v8  }
0x5f: {  	s13 =	sadd.s32 $0x10, s13;
	s11 =	sadd.s32 $0x10, s11;
	s14 =	sadd.s32 s12, s7;
	v7 =	vsel vm0, v7, v8;
	v8 =	vnsel vm1, $0x4000, v9  }
0x60: {  	s13 =	sand.u32 $0x1F80, s14;
	s12 =	sand.u32 $0x70, s12;
	v7 =	vor.u32 v8, v7  }
0x61: {  	s12 =	sor.u32 s12, s13;
	[tilespmem:s11+$0x0] =	vst v7  }
0x62: {  	v7 =	vld [tilespmem:s12+$0x0];
	_ =	sdelay $0x1  }
0x63: {  	v61 =	vmov s14  }
0x64: {  	v8 =	vshll.u32 v61, $0x7  }
0x65: {  	v8 =	vor.u32 v5, v8  }
0x66: {  	vm0 =	vlt.s32 v7, $0x80;
	v8 =	vor.u32 v8, v7  }
0x67: {  	v8 =	vnsel vm0, $0xFFFFFFFF, v8  }
0x68: {  	v9 =	vperm.xlane v8, v0;
	_ =	sdelay $0x1  }
0x69: {  	vm1 =	vgt.s32 v8, v9  }
0x6a: {  	v8 =	vsel vm1, v8, v9  }
0x6b: {  	v9 =	vperm.xlane v8, v2;
	_ =	sdelay $0x1  }
0x6c: {  	vm1 =	vgt.s32 v8, v9  }
0x6d: {  	v8 =	vsel vm1, v8, v9  }
0x6e: {  	v9 =	vperm.xlane v8, v3;
	_ =	sdelay $0x1  }
0x6f: {  	vm1 =	vgt.s32 v8, v9  }
0x70: {  	v8 =	vsel vm1, v8, v9  }
0x71: {  	v9 =	vperm.xlane v8, v1;
	_ =	sdelay $0x1  }
0x72: {  	vm1 =	vgt.s32 v8, v9  }
0x73: {  	v8 =	vsel vm1, v8, v9  }
0x74: {  	vm1 =	vgt.s32 v8, v6  }
0x75: {  	v6 =	vsel vm1, v8, v6  }
0x76: {  	vm1 =	vgt.s32 v6, $0x0  }
0x77: {  	v6 =	vnsel vm1, $0x0, v6  }
0x78: {  	v62 =	vand.u32 $0xFFFFFFE0, v7;
	v6 =	vand.u32 $0x7F, v6  }
0x79: {  	v63 =	vshll.u32 v7, $0x9;
	vm15 =	veq.s32 v62, $0x80;
	v6 =	vor.u32 $0x80, v6  }
0x7a: {  	v8 =	vadd.s32 $0xFFFF0000, v63;
	v6 =	vnsel vm15, $0x100, v6  }
0x7b: {  	s10 =	sadd.s32 $0x1, s10;
	v6 =	vsel vm0, v7, v6;
	v7 =	vnsel vm15, $0x4000, v8  }
0x7c: {  	s31 =	sadd.s32 $0x10, s11;
	p1 =	sne.s32 s10, s5;
	v6 =	vor.u32 v7, v6  }
.Ltmp4:
0x7d: {  	[tilespmem:s31+$0x0] =	vst v6;
	(pc) =	sbr.rel @p1 .LBB2_1-.Ltmp4, $4  }
0x7e: {  	[hbm4b:s4+s2] =	stream.linear.scatter [tilespmem:s9], [sflag:$0x1], $0x400, $0x38;
	[tilespmem:$0x2400] =	vst v63  }
0x7f: {  	_ =	swait.ge [sflag:s8], $0x400  }
0x80: {  	[sflag:s8] =	ssyncset.done $0x0  }
0x81: {  	[sflag:s8] =	ssyncadd.s32 $0xFFFFFC00  }
0x82: {  	_ =	sfence.sel $0x180000  }
0x83: {  	[bflag:$0x0] =	sbarrier.arrive $0xFFFF  }
0x84: {  	p0 =	sne.s32 s1, $0x0;
	_ =	strace $0x90000047  }
0x85: {  	s0 =	sadd.s32 @!p0 $0x100000, s0;
	[bflag:$0x2] =	sbarrier.arrive $0xFFFF  }
0x86: {  	[sflag:s0] =	ssyncadd.tile.s32 @!p0 $0x1;
	_ =	shalt  }
.Lfunc_end2:
_tile_overlayer_lowered:
.L_overlay_start_2:
0x87: {  	(tag) =	ssettag $0x2  }
0x88: {  	s0 =	rddreg [dreg:$0x0];
	s2 =	stileid.u32  }
0x89: {  	s1 =	rddreg [dreg:$0x1];
	p0 =	sne.s32 s2, $0x0  }
0x8a: {  	s3 =	rddreg [dreg:$0x2];
	[bflag:$0x3] =	sbarrier.arrive $0xFFFF;
	s2 =	simm.s32 @!p0 $0x1C01  }
0x8b: {  	[timem:s3], [sflag:s2] =	dma.local @!p0 [hbm:s0], s1  }
0x8c: {  	s0 =	simm.s32 @!p0 $0x1  }
0x8d: {  	_ =	swait.ge @!p0 [sflag:s0], s1  }
0x8e: {  	s1 =	ssub.s32 @!p0 $0x0, s1;
	[sflag:s0] =	ssyncset.done @!p0 $0x0  }
0x8f: {  	[sflag:s0] =	ssyncadd.s32 @!p0 s1  }
0x90: {  	[bflag:$0x3] =	sbarrier.arrive $0xFFFF  }
0x91: {  	_ =	shalt  }

</sc_bundles>
